<compile_context>
chip_gen: v7x
topology: tpu7x:2x2x1
jax: 0.10.2.dev20260603
libtpu: 0.0.44.dev20260713+nightly
codegen_flags: <defaults>
</compile_context>

<pallas_src>
import functools

import jax
import jax.numpy as jnp
from jax import lax
from jax.experimental import pallas as pl
from jax.experimental.pallas import tpu as pltpu
from jax.experimental.pallas import tpu_sc as plsc

_NUM_SEGMENTS = 64
_EPS = 1e-05
_N = 100000
_D = 128
_BR = 10000
_NB = _N // _BR
_NW = 32
_CHUNK = 3200
_NPAD = _NW * _CHUNK
_VPC = _CHUNK // 16


def _pass_a(x_ref, seg_ref, s_ref, q_ref, rm_ref):
    i = pl.program_id(0)
    x = x_ref[...]
    seg = seg_ref[0, 0, :]
    seg_iota = jax.lax.broadcasted_iota(jnp.int32, (_NUM_SEGMENTS, _BR), 0)
    mask = seg_iota == seg[None, :]
    one_hot_t = mask.astype(jnp.float32)
    xx = x * x
    s_part = jnp.dot(one_hot_t, x, preferred_element_type=jnp.float32)
    q_part = jnp.dot(one_hot_t, xx, preferred_element_type=jnp.float32)
    rm_ref[0, 0, :] = jnp.max(xx, axis=1)

    @pl.when(i == 0)
    def _():
        s_ref[...] = jnp.zeros_like(s_ref)
        q_ref[...] = jnp.zeros_like(q_ref)

    s_ref[...] += s_part
    q_ref[...] += q_part


def _gather16(v, idx):
    dn = lax.GatherDimensionNumbers(
        offset_dims=(), collapsed_slice_dims=(0,), start_index_map=(0,))
    return lax.gather(v, idx[:, None], dn, slice_sizes=(1,),
                      mode=lax.GatherScatterMode.PROMISE_IN_BOUNDS)


def _sc_segmax_body(rm_hbm, seg_hbm, out_hbm, rm_v, seg_v, acc_v):
    wid = lax.axis_index("s") * 2 + lax.axis_index("c")
    base = wid * _CHUNK
    pltpu.sync_copy(rm_hbm.at[pl.ds(base, _CHUNK)], rm_v)
    pltpu.sync_copy(seg_hbm.at[pl.ds(base, _CHUNK)], seg_v)
    for k in range(_NUM_SEGMENTS // 16):
        acc_v[pl.ds(k * 16, 16)] = jnp.zeros((16,), jnp.float32)
    lanes = lax.iota(jnp.int32, 16)

    def body(j, carry):
        v = rm_v[pl.ds(j * 16, 16)]
        s = seg_v[pl.ds(j * 16, 16)]
        for sh in (1, 2, 4, 8):
            idx = jnp.minimum(lanes + sh, 15)
            v2 = _gather16(v, idx)
            s2 = _gather16(s, idx)
            v = jnp.where(s2 == s, jnp.maximum(v, v2), v)
        prev = _gather16(s, jnp.maximum(lanes - 1, 0))
        first = (s != prev) | (lanes == 0)
        cur = plsc.load_gather(acc_v, [s])
        plsc.store_scatter(acc_v, [s], jnp.maximum(cur, v), mask=first)
        return carry

    lax.fori_loop(0, _VPC, body, 0)
    pltpu.sync_copy(acc_v, out_hbm.at[wid])


_sc_segmax = functools.partial(
    pl.kernel,
    mesh=plsc.VectorSubcoreMesh(core_axis_name="c", subcore_axis_name="s"),
    compiler_params=pltpu.CompilerParams(needs_layout_passes=False),
    out_type=jax.ShapeDtypeStruct((_NW, _NUM_SEGMENTS), jnp.float32),
    scratch_types=[
        pltpu.VMEM((_CHUNK,), jnp.float32),
        pltpu.VMEM((_CHUNK,), jnp.int32),
        pltpu.VMEM((_NUM_SEGMENTS,), jnp.float32),
    ],
)(_sc_segmax_body)


def _pass_b(x_ref, seg_ref, s_ref, q_ref, mp_ref, w_ref, b_ref, o_ref):
    msq = jnp.max(mp_ref[...], axis=0)[:, None]
    m = jnp.sqrt(msq)
    m = jnp.maximum(m, 1e-12)
    denom = jnp.sqrt(m)
    sum_t = jnp.sum(s_ref[...] / denom, axis=0, keepdims=True)
    sum_t2 = jnp.sum(q_ref[...] / m, axis=0, keepdims=True)
    mean = sum_t / _N
    var = (sum_t2 - mean * sum_t) / (_N - 1)
    invstd = jax.lax.rsqrt(var + _EPS)
    scale = w_ref[...] * invstd
    a = scale / denom
    c = b_ref[...] - mean * scale

    x = x_ref[...]
    seg = seg_ref[0, 0, :]
    seg_iota = jax.lax.broadcasted_iota(jnp.int32, (_NUM_SEGMENTS, _BR), 0)
    one_hot_t = (seg_iota == seg[None, :]).astype(jnp.float32)
    a_rows = jax.lax.dot_general(
        one_hot_t, a, (((0,), (0,)), ((), ())),
        preferred_element_type=jnp.float32)
    o_ref[...] = x * a_rows + c


@jax.jit
def _run(tensor, segment_ids, weight, bias):
    seg32 = segment_ids.astype(jnp.int32)
    seg3d = seg32.reshape(_NB, 1, _BR)
    stats_shape = jax.ShapeDtypeStruct((_NUM_SEGMENTS, _D), jnp.float32)
    s, q, rm3d = pl.pallas_call(
        _pass_a,
        grid=(_NB,),
        in_specs=[
            pl.BlockSpec((_BR, _D), lambda i: (i, 0)),
            pl.BlockSpec((1, 1, _BR), lambda i: (i, 0, 0)),
        ],
        out_specs=[
            pl.BlockSpec((_NUM_SEGMENTS, _D), lambda i: (0, 0)),
            pl.BlockSpec((_NUM_SEGMENTS, _D), lambda i: (0, 0)),
            pl.BlockSpec((1, 1, _BR), lambda i: (i, 0, 0)),
        ],
        out_shape=[stats_shape, stats_shape,
                   jax.ShapeDtypeStruct((_NB, 1, _BR), jnp.float32)],
    )(tensor, seg3d)

    rm_pad = jnp.concatenate(
        [rm3d.reshape(_N), jnp.zeros((_NPAD - _N,), jnp.float32)])
    seg_pad = jnp.concatenate(
        [seg32, jnp.full((_NPAD - _N,), _NUM_SEGMENTS - 1, jnp.int32)])
    mp = _sc_segmax(rm_pad, seg_pad)

    out = pl.pallas_call(
        _pass_b,
        grid=(_NB,),
        in_specs=[
            pl.BlockSpec((_BR, _D), lambda i: (i, 0)),
            pl.BlockSpec((1, 1, _BR), lambda i: (i, 0, 0)),
            pl.BlockSpec((_NUM_SEGMENTS, _D), lambda i: (0, 0)),
            pl.BlockSpec((_NUM_SEGMENTS, _D), lambda i: (0, 0)),
            pl.BlockSpec((_NW, _NUM_SEGMENTS), lambda i: (0, 0)),
            pl.BlockSpec((1, _D), lambda i: (0, 0)),
            pl.BlockSpec((1, _D), lambda i: (0, 0)),
        ],
        out_specs=pl.BlockSpec((_BR, _D), lambda i: (i, 0)),
        out_shape=jax.ShapeDtypeStruct((_N, _D), jnp.float32),
    )(tensor, seg3d, s, q, mp, weight.reshape(1, _D), bias.reshape(1, _D))
    return out


def kernel(tensor, segment_ids, weight, bias):
    return _run(tensor, segment_ids, weight, bias)

# --- scband reference (transcript-rebuilt; emitter-appended) ---
"""Pipeline reference for scband-xxx-norm-8813272891444 (READ-ONLY COPY).

The authoritative reference and input builder live on the scoring server;
editing this copy changes nothing except your own understanding.
"""

import jax, jax.numpy as jnp
import numpy as np

NUM_SEGMENTS = 64
EPS = 1e-05


def setup_inputs(seed: int = 0) -> dict:
    key = jax.random.key(seed)
    k1, k2 = jax.random.split(key)
    tensor = jax.random.normal(k1, (100000, 128), dtype=jnp.float32)
    segment_ids = jnp.sort(jax.random.randint(k2, (100000,), 0, NUM_SEGMENTS)).astype(jnp.int64)
    weight = jnp.ones((128,), dtype=jnp.float32)
    bias = jnp.zeros((128,), dtype=jnp.float32)
    return {"tensor": tensor, "segment_ids": segment_ids, "weight": weight, "bias": bias}


def reference(tensor, segment_ids, weight, bias):
    # per-graph max of |x| over nodes (segment.segment_reduce(..., reducer='max'))
    tensor_abs = jnp.abs(tensor)
    tensor_max = jax.ops.segment_max(tensor_abs, segment_ids, num_segments=NUM_SEGMENTS)  # [B, d]
    tensor_max = jnp.where(tensor_max <= 1e-12, 1e-12, tensor_max)
    # max over feature dim, broadcast back to all features -> [B]
    tensor_max = jnp.max(tensor_max, axis=1)
    # sqrt then repeat_interleave back to nodes via gather on segment_ids
    denom = jnp.sqrt(tensor_max)[segment_ids][:, None]  # [N, 1]
    t = tensor / denom
    # training-mode batch statistics (torch.var is unbiased by default)
    mean_bn = jnp.mean(t, axis=0)
    var_bn = jnp.var(t, axis=0, ddof=1)
    t_norm = (t - mean_bn) / jnp.sqrt(var_bn + EPS)
    return weight * t_norm + bias

if __name__ == "__main__":
    import jax
    _d = setup_inputs()
    print(jax.jit(kernel)(*tuple(_d.values())))

</pallas_src>

<mosaic_0001>
#map = affine_map<(d0, d1) -> (0)>
#map1 = affine_map<(d0, d1) -> (0, 0)>
module attributes {stable_mosaic.version = 14 : i64} {
  func.func @_sc_segmax_body(%arg0: i32, %arg1: i32, %arg2: memref<102400xf32, #tpu.memory_space<hbm>>, %arg3: memref<102400xi32, #tpu.memory_space<hbm>>, %arg4: memref<32x64xf32, #tpu.memory_space<hbm>>, %arg5: memref<3200xf32, #tpu.memory_space<vmem>>, %arg6: memref<3200xi32, #tpu.memory_space<vmem>>, %arg7: memref<64xf32, #tpu.memory_space<vmem>>) attributes {dimension_semantics = [#tpu.dimension_semantics<core_parallel>, #tpu.dimension_semantics<subcore_parallel>], iteration_bounds = array<i64: 2, 16>, scalar_prefetch = 0 : i64, scratch_operands = 3 : i64, tpu.core_type = #tpu.core_type<sc_vector_subcore>, window_params = [{transform_indices = #map}, {transform_indices = #map}, {transform_indices = #map1}]} {
    %mul3A = arith.constant 2 : i32
    %mul3A_0 = arith.muli %arg1, %mul3A : i32
    %add3A = arith.addi %mul3A_0, %arg0 : i32
    %mul3A_1 = arith.constant 3200 : i32
    %mul3A_2 = arith.muli %add3A, %mul3A_1 : i32
    "tpu.region"() ({
      %run_scoped3A = tpu.sem_alloc : memref<!tpu.dma_semaphore, #tpu.memory_space<semaphore_mem>>
      %dma_start3A = tpu.memref_slice %arg2[%mul3A_2] : memref<102400xf32, #tpu.memory_space<hbm>> -> memref<3200xf32, #tpu.memory_space<hbm>>
      %dma_start3A_22 = tpu.memref_slice %arg2[%mul3A_2] : memref<102400xf32, #tpu.memory_space<hbm>> -> memref<3200xf32, #tpu.memory_space<hbm>>
      tpu.enqueue_dma source(%dma_start3A_22 : memref<3200xf32, #tpu.memory_space<hbm>>) target(%arg5 : memref<3200xf32, #tpu.memory_space<vmem>>) target_semaphore(%run_scoped3A : memref<!tpu.dma_semaphore, #tpu.memory_space<semaphore_mem>>)
      %dma_wait3A = tpu.memref_slice %arg2[%mul3A_2] : memref<102400xf32, #tpu.memory_space<hbm>> -> memref<3200xf32, #tpu.memory_space<hbm>>
      %dma_wait3A_23 = tpu.memref_slice %arg2[%mul3A_2] : memref<102400xf32, #tpu.memory_space<hbm>> -> memref<3200xf32, #tpu.memory_space<hbm>>
      tpu.wait_dma2 semaphore(%run_scoped3A : memref<!tpu.dma_semaphore, #tpu.memory_space<semaphore_mem>>) src(%dma_wait3A_23 : memref<3200xf32, #tpu.memory_space<hbm>>) dst(%arg5 : memref<3200xf32, #tpu.memory_space<vmem>>)
      tpu.yield
    }) : () -> ()
    "tpu.region"() ({
      %run_scoped3A = tpu.sem_alloc : memref<!tpu.dma_semaphore, #tpu.memory_space<semaphore_mem>>
      %dma_start3A = tpu.memref_slice %arg3[%mul3A_2] : memref<102400xi32, #tpu.memory_space<hbm>> -> memref<3200xi32, #tpu.memory_space<hbm>>
      %dma_start3A_22 = tpu.memref_slice %arg3[%mul3A_2] : memref<102400xi32, #tpu.memory_space<hbm>> -> memref<3200xi32, #tpu.memory_space<hbm>>
      tpu.enqueue_dma source(%dma_start3A_22 : memref<3200xi32, #tpu.memory_space<hbm>>) target(%arg6 : memref<3200xi32, #tpu.memory_space<vmem>>) target_semaphore(%run_scoped3A : memref<!tpu.dma_semaphore, #tpu.memory_space<semaphore_mem>>)
      %dma_wait3A = tpu.memref_slice %arg3[%mul3A_2] : memref<102400xi32, #tpu.memory_space<hbm>> -> memref<3200xi32, #tpu.memory_space<hbm>>
      %dma_wait3A_23 = tpu.memref_slice %arg3[%mul3A_2] : memref<102400xi32, #tpu.memory_space<hbm>> -> memref<3200xi32, #tpu.memory_space<hbm>>
      tpu.wait_dma2 semaphore(%run_scoped3A : memref<!tpu.dma_semaphore, #tpu.memory_space<semaphore_mem>>) src(%dma_wait3A_23 : memref<3200xi32, #tpu.memory_space<hbm>>) dst(%arg6 : memref<3200xi32, #tpu.memory_space<vmem>>)
      tpu.yield
    }) : () -> ()
    %broadcast_in_dim3A = arith.constant 0.000000e+00 : f32
    %broadcast_in_dim3A_3 = vector.broadcast %broadcast_in_dim3A : f32 to vector<16xf32>
    %swap3A = arith.constant 0 : index
    %swap3A_4 = tpu.vector_load %arg7[%swap3A] {strides = array<i32>} : memref<64xf32, #tpu.memory_space<vmem>>, vector<16xf32>,
    tpu.vector_store %arg7[%swap3A], %broadcast_in_dim3A_3 {strides = array<i32>} : memref<64xf32, #tpu.memory_space<vmem>>, vector<16xf32>,
    %broadcast_in_dim3A_5 = arith.constant 0.000000e+00 : f32
    %broadcast_in_dim3A_6 = vector.broadcast %broadcast_in_dim3A_5 : f32 to vector<16xf32>
    %swap3A_7 = arith.constant 16 : index
    %swap3A_8 = tpu.vector_load %arg7[%swap3A_7] {strides = array<i32>} : memref<64xf32, #tpu.memory_space<vmem>>, vector<16xf32>,
    tpu.vector_store %arg7[%swap3A_7], %broadcast_in_dim3A_6 {strides = array<i32>} : memref<64xf32, #tpu.memory_space<vmem>>, vector<16xf32>,
    %broadcast_in_dim3A_9 = arith.constant 0.000000e+00 : f32
    %broadcast_in_dim3A_10 = vector.broadcast %broadcast_in_dim3A_9 : f32 to vector<16xf32>
    %swap3A_11 = arith.constant 32 : index
    %swap3A_12 = tpu.vector_load %arg7[%swap3A_11] {strides = array<i32>} : memref<64xf32, #tpu.memory_space<vmem>>, vector<16xf32>,
    tpu.vector_store %arg7[%swap3A_11], %broadcast_in_dim3A_10 {strides = array<i32>} : memref<64xf32, #tpu.memory_space<vmem>>, vector<16xf32>,
    %broadcast_in_dim3A_13 = arith.constant 0.000000e+00 : f32
    %broadcast_in_dim3A_14 = vector.broadcast %broadcast_in_dim3A_13 : f32 to vector<16xf32>
    %swap3A_15 = arith.constant 48 : index
    %swap3A_16 = tpu.vector_load %arg7[%swap3A_15] {strides = array<i32>} : memref<64xf32, #tpu.memory_space<vmem>>, vector<16xf32>,
    tpu.vector_store %arg7[%swap3A_15], %broadcast_in_dim3A_14 {strides = array<i32>} : memref<64xf32, #tpu.memory_space<vmem>>, vector<16xf32>,
    %iota3A = tpu.iota {dimensions = array<i32: 0>} : vector<16xi32>
    %scan3A = arith.constant 0 : i32
    %scan3A_17 = arith.constant 0 : i32
    %scan3A_18 = arith.constant 200 : i32
    %scan3A_19 = arith.addi %scan3A_17, %scan3A_18 : i32
    %scan3A_20 = arith.constant 1 : i32
    scf.for %scan3A_22 = %scan3A_17 to %scan3A_19 step %scan3A_20  : i32 {
      %mul3A_23 = arith.constant 16 : i32
      %mul3A_24 = arith.muli %scan3A_22, %mul3A_23 : i32
      %get3A = arith.index_cast %mul3A_24 : i32 to index
      %get3A_25 = tpu.vector_load %arg5[%get3A] {strides = array<i32>} : memref<3200xf32, #tpu.memory_space<vmem>>, vector<16xf32>,
      %mul3A_26 = arith.constant 16 : i32
      %mul3A_27 = arith.muli %scan3A_22, %mul3A_26 : i32
      %get3A_28 = arith.index_cast %mul3A_27 : i32 to index
      %get3A_29 = tpu.vector_load %arg6[%get3A_28] {strides = array<i32>} : memref<3200xi32, #tpu.memory_space<vmem>>, vector<16xi32>,
      %add3A_30 = arith.constant 1 : i32
      %add3A_31 = vector.broadcast %add3A_30 : i32 to vector<16xi32>
      %add3A_32 = arith.addi %iota3A, %add3A_31 : vector<16xi32>
      %min3A = arith.constant 15 : i32
      %min3A_33 = vector.broadcast %min3A : i32 to vector<16xi32>
      %min3A_34 = arith.minsi %add3A_32, %min3A_33 : vector<16xi32>
      %broadcast_in_dim3A_35 = vector.shape_cast %min3A_34 : vector<16xi32> to vector<16x1xi32>
      %gather3A = vector.shape_cast %broadcast_in_dim3A_35 : vector<16x1xi32> to vector<16xi32>
      %gather3A_36 = tpu.dynamic_gather %get3A_25[%gather3A] in [0] : vector<16xf32>, vector<16xi32> -> vector<16xf32>
      %broadcast_in_dim3A_37 = vector.shape_cast %min3A_34 : vector<16xi32> to vector<16x1xi32>
      %gather3A_38 = vector.shape_cast %broadcast_in_dim3A_37 : vector<16x1xi32> to vector<16xi32>
      %gather3A_39 = tpu.dynamic_gather %get3A_29[%gather3A_38] in [0] : vector<16xi32>, vector<16xi32> -> vector<16xi32>
      %eq3A = arith.cmpi eq, %gather3A_39, %get3A_29 : vector<16xi32>
      %max3A = arith.maximumf %get3A_25, %gather3A_36 : vector<16xf32>
      %select_n3A = arith.select %eq3A, %max3A, %get3A_25 : vector<16xi1>, vector<16xf32>
      %add3A_40 = arith.constant 2 : i32
      %add3A_41 = vector.broadcast %add3A_40 : i32 to vector<16xi32>
      %add3A_42 = arith.addi %iota3A, %add3A_41 : vector<16xi32>
      %min3A_43 = arith.constant 15 : i32
      %min3A_44 = vector.broadcast %min3A_43 : i32 to vector<16xi32>
      %min3A_45 = arith.minsi %add3A_42, %min3A_44 : vector<16xi32>
      %broadcast_in_dim3A_46 = vector.shape_cast %min3A_45 : vector<16xi32> to vector<16x1xi32>
      %gather3A_47 = vector.shape_cast %broadcast_in_dim3A_46 : vector<16x1xi32> to vector<16xi32>
      %gather3A_48 = tpu.dynamic_gather %select_n3A[%gather3A_47] in [0] : vector<16xf32>, vector<16xi32> -> vector<16xf32>
      %broadcast_in_dim3A_49 = vector.shape_cast %min3A_45 : vector<16xi32> to vector<16x1xi32>
      %gather3A_50 = vector.shape_cast %broadcast_in_dim3A_49 : vector<16x1xi32> to vector<16xi32>
      %gather3A_51 = tpu.dynamic_gather %get3A_29[%gather3A_50] in [0] : vector<16xi32>, vector<16xi32> -> vector<16xi32>
      %eq3A_52 = arith.cmpi eq, %gather3A_51, %get3A_29 : vector<16xi32>
      %max3A_53 = arith.maximumf %select_n3A, %gather3A_48 : vector<16xf32>
      %select_n3A_54 = arith.select %eq3A_52, %max3A_53, %select_n3A : vector<16xi1>, vector<16xf32>
      %add3A_55 = arith.constant 4 : i32
      %add3A_56 = vector.broadcast %add3A_55 : i32 to vector<16xi32>
      %add3A_57 = arith.addi %iota3A, %add3A_56 : vector<16xi32>
      %min3A_58 = arith.constant 15 : i32
      %min3A_59 = vector.broadcast %min3A_58 : i32 to vector<16xi32>
      %min3A_60 = arith.minsi %add3A_57, %min3A_59 : vector<16xi32>
      %broadcast_in_dim3A_61 = vector.shape_cast %min3A_60 : vector<16xi32> to vector<16x1xi32>
      %gather3A_62 = vector.shape_cast %broadcast_in_dim3A_61 : vector<16x1xi32> to vector<16xi32>
      %gather3A_63 = tpu.dynamic_gather %select_n3A_54[%gather3A_62] in [0] : vector<16xf32>, vector<16xi32> -> vector<16xf32>
      %broadcast_in_dim3A_64 = vector.shape_cast %min3A_60 : vector<16xi32> to vector<16x1xi32>
      %gather3A_65 = vector.shape_cast %broadcast_in_dim3A_64 : vector<16x1xi32> to vector<16xi32>
      %gather3A_66 = tpu.dynamic_gather %get3A_29[%gather3A_65] in [0] : vector<16xi32>, vector<16xi32> -> vector<16xi32>
      %eq3A_67 = arith.cmpi eq, %gather3A_66, %get3A_29 : vector<16xi32>
      %max3A_68 = arith.maximumf %select_n3A_54, %gather3A_63 : vector<16xf32>
      %select_n3A_69 = arith.select %eq3A_67, %max3A_68, %select_n3A_54 : vector<16xi1>, vector<16xf32>
      %add3A_70 = arith.constant 8 : i32
      %add3A_71 = vector.broadcast %add3A_70 : i32 to vector<16xi32>
      %add3A_72 = arith.addi %iota3A, %add3A_71 : vector<16xi32>
      %min3A_73 = arith.constant 15 : i32
      %min3A_74 = vector.broadcast %min3A_73 : i32 to vector<16xi32>
      %min3A_75 = arith.minsi %add3A_72, %min3A_74 : vector<16xi32>
      %broadcast_in_dim3A_76 = vector.shape_cast %min3A_75 : vector<16xi32> to vector<16x1xi32>
      %gather3A_77 = vector.shape_cast %broadcast_in_dim3A_76 : vector<16x1xi32> to vector<16xi32>
      %gather3A_78 = tpu.dynamic_gather %select_n3A_69[%gather3A_77] in [0] : vector<16xf32>, vector<16xi32> -> vector<16xf32>
      %broadcast_in_dim3A_79 = vector.shape_cast %min3A_75 : vector<16xi32> to vector<16x1xi32>
      %gather3A_80 = vector.shape_cast %broadcast_in_dim3A_79 : vector<16x1xi32> to vector<16xi32>
      %gather3A_81 = tpu.dynamic_gather %get3A_29[%gather3A_80] in [0] : vector<16xi32>, vector<16xi32> -> vector<16xi32>
      %eq3A_82 = arith.cmpi eq, %gather3A_81, %get3A_29 : vector<16xi32>
      %max3A_83 = arith.maximumf %select_n3A_69, %gather3A_78 : vector<16xf32>
      %select_n3A_84 = arith.select %eq3A_82, %max3A_83, %select_n3A_69 : vector<16xi1>, vector<16xf32>
      %sub3A = arith.constant 1 : i32
      %sub3A_85 = vector.broadcast %sub3A : i32 to vector<16xi32>
      %sub3A_86 = arith.subi %iota3A, %sub3A_85 : vector<16xi32>
      %max3A_87 = arith.constant 0 : i32
      %max3A_88 = vector.broadcast %max3A_87 : i32 to vector<16xi32>
      %max3A_89 = arith.maxsi %sub3A_86, %max3A_88 : vector<16xi32>
      %broadcast_in_dim3A_90 = vector.shape_cast %max3A_89 : vector<16xi32> to vector<16x1xi32>
      %gather3A_91 = vector.shape_cast %broadcast_in_dim3A_90 : vector<16x1xi32> to vector<16xi32>
      %gather3A_92 = tpu.dynamic_gather %get3A_29[%gather3A_91] in [0] : vector<16xi32>, vector<16xi32> -> vector<16xi32>
      %ne3A = arith.cmpi ne, %get3A_29, %gather3A_92 : vector<16xi32>
      %eq3A_93 = arith.constant 0 : i32
      %eq3A_94 = vector.broadcast %eq3A_93 : i32 to vector<16xi32>
      %eq3A_95 = arith.cmpi eq, %iota3A, %eq3A_94 : vector<16xi32>
      %or3A = arith.ori %ne3A, %eq3A_95 : vector<16xi1>
      %gather3A_96 = tpu.vector_load_idx %arg7[%get3A_29] : memref<64xf32, #tpu.memory_space<vmem>>[vector<16xi32>], vector<16xf32>,
      %max3A_97 = arith.maximumf %gather3A_96, %select_n3A_84 : vector<16xf32>
      tpu.vector_store_idx %arg7[%get3A_29], %max3A_97 masked %or3A : memref<64xf32, #tpu.memory_space<vmem>>[vector<16xi32>], vector<16xf32>, vector<16xi1>
    }
    %scan3A_21 = arith.constant 200 : i32
    "tpu.region"() ({
      %run_scoped3A = tpu.sem_alloc : memref<!tpu.dma_semaphore, #tpu.memory_space<semaphore_mem>>
      %dma_start3A = arith.constant 0 : i32
      %dma_start3A_22 = tpu.memref_slice %arg4[%add3A, %dma_start3A] : memref<32x64xf32, #tpu.memory_space<hbm>> -> memref<1x64xf32, #tpu.memory_space<hbm>>
      %dma_start3A_23 = tpu.memref_squeeze %dma_start3A_22 : memref<1x64xf32, #tpu.memory_space<hbm>> -> memref<64xf32, #tpu.memory_space<hbm>>
      %dma_start3A_24 = arith.constant 0 : i32
      %dma_start3A_25 = tpu.memref_slice %arg4[%add3A, %dma_start3A_24] : memref<32x64xf32, #tpu.memory_space<hbm>> -> memref<1x64xf32, #tpu.memory_space<hbm>>
      %dma_start3A_26 = tpu.memref_squeeze %dma_start3A_25 : memref<1x64xf32, #tpu.memory_space<hbm>> -> memref<64xf32, #tpu.memory_space<hbm>>
      tpu.enqueue_dma source(%arg7 : memref<64xf32, #tpu.memory_space<vmem>>) target(%dma_start3A_26 : memref<64xf32, #tpu.memory_space<hbm>>) target_semaphore(%run_scoped3A : memref<!tpu.dma_semaphore, #tpu.memory_space<semaphore_mem>>)
      %dma_wait3A = arith.constant 0 : i32
      %dma_wait3A_27 = tpu.memref_slice %arg4[%add3A, %dma_wait3A] : memref<32x64xf32, #tpu.memory_space<hbm>> -> memref<1x64xf32, #tpu.memory_space<hbm>>
      %dma_wait3A_28 = tpu.memref_squeeze %dma_wait3A_27 : memref<1x64xf32, #tpu.memory_space<hbm>> -> memref<64xf32, #tpu.memory_space<hbm>>
      %dma_wait3A_29 = arith.constant 0 : i32
      %dma_wait3A_30 = tpu.memref_slice %arg4[%add3A, %dma_wait3A_29] : memref<32x64xf32, #tpu.memory_space<hbm>> -> memref<1x64xf32, #tpu.memory_space<hbm>>
      %dma_wait3A_31 = tpu.memref_squeeze %dma_wait3A_30 : memref<1x64xf32, #tpu.memory_space<hbm>> -> memref<64xf32, #tpu.memory_space<hbm>>
      tpu.wait_dma2 semaphore(%run_scoped3A : memref<!tpu.dma_semaphore, #tpu.memory_space<semaphore_mem>>) src(%arg7 : memref<64xf32, #tpu.memory_space<vmem>>) dst(%dma_wait3A_31 : memref<64xf32, #tpu.memory_space<hbm>>)
      tpu.yield
    }) : () -> ()
    return
  }
}

module attributes {stable_mosaic.version = 14 : i64} {
  func.func @_pass_a(%arg0: i32, %arg1: memref<10000x128xf32, #tpu.memory_space<vmem>>, %arg2: memref<1x1x10000xi32, #tpu.memory_space<vmem>>, %arg3: memref<64x128xf32, #tpu.memory_space<vmem>>, %arg4: memref<64x128xf32, #tpu.memory_space<vmem>>, %arg5: memref<1x1x10000xf32, #tpu.memory_space<vmem>>) attributes {dimension_semantics = [#tpu.dimension_semantics<arbitrary>], iteration_bounds = array<i64: 10>, scalar_prefetch = 0 : i64, scratch_operands = 0 : i64, tpu.core_type = #tpu.core_type<tc>, window_params = [{transform_indices = @transform_0, window_bounds = array<i64: 10000, 128>}, {transform_indices = @transform_1, window_bounds = array<i64: 1, 1, 10000>}, {pipeline_mode = #tpu.pipeline_mode<synchronous>, transform_indices = @transform_2, window_bounds = array<i64: 64, 128>}, {pipeline_mode = #tpu.pipeline_mode<synchronous>, transform_indices = @transform_3, window_bounds = array<i64: 64, 128>}, {transform_indices = @transform_4, window_bounds = array<i64: 1, 1, 10000>}]} {
    %get3A = arith.constant 0 : index
    %get3A_0 = arith.constant 0 : index
    %get3A_1 = vector.load %arg1[%get3A, %get3A_0] : memref<10000x128xf32, #tpu.memory_space<vmem>>, vector<10000x128xf32>
    %get3A_2 = arith.constant 0 : index
    %get3A_3 = arith.constant 0 : index
    %get3A_4 = arith.constant 0 : index
    %get3A_5 = vector.load %arg2[%get3A_2, %get3A_3, %get3A_4] : memref<1x1x10000xi32, #tpu.memory_space<vmem>>, vector<1x1x10000xi32>
    %get3A_6 = vector.shape_cast %get3A_5 : vector<1x1x10000xi32> to vector<10000xi32>
    %iota3A = tpu.iota {dimensions = array<i32: 0>} : vector<64x10000xi32>
    %broadcast_in_dim3A = vector.shape_cast %get3A_6 : vector<10000xi32> to vector<1x10000xi32>
    %eq3A = vector.broadcast %broadcast_in_dim3A : vector<1x10000xi32> to vector<64x10000xi32>
    %eq3A_7 = arith.cmpi eq, %iota3A, %eq3A : vector<64x10000xi32>
    %convert_element_type3A = arith.extui %eq3A_7 : vector<64x10000xi1> to vector<64x10000xi32>
    %convert_element_type3A_8 = arith.sitofp %convert_element_type3A : vector<64x10000xi32> to vector<64x10000xf32>
    %mul3A = arith.mulf %get3A_1, %get3A_1 : vector<10000x128xf32>
    %dot_general3A = arith.constant dense<0.000000e+00> : vector<64x128xf32>
    %dot_general3A_9 = tpu.matmul %convert_element_type3A_8, %get3A_1, %dot_general3A {dimension_numbers = #tpu.dot_dimension_numbers<[1], [0], [0], [1], [0, 0, 1, 1], [], []>, transpose_lhs_hint = false} : vector<64x10000xf32>, vector<10000x128xf32>, vector<64x128xf32> -> vector<64x128xf32>
    %dot_general3A_10 = arith.constant dense<0.000000e+00> : vector<64x128xf32>
    %dot_general3A_11 = tpu.matmul %convert_element_type3A_8, %mul3A, %dot_general3A_10 {dimension_numbers = #tpu.dot_dimension_numbers<[1], [0], [0], [1], [0, 0, 1, 1], [], []>, transpose_lhs_hint = false} : vector<64x10000xf32>, vector<10000x128xf32>, vector<64x128xf32> -> vector<64x128xf32>
    %reduce_max3A = arith.constant dense<0xFF800000> : vector<10000xf32>
    %reduce_max3A_12 = vector.multi_reduction <maximumf>, %mul3A, %reduce_max3A [1] : vector<10000x128xf32> to vector<10000xf32>
    %swap3A = arith.constant 0 : index
    %swap3A_13 = arith.constant 0 : index
    %swap3A_14 = arith.constant 0 : index
    %swap3A_15 = vector.load %arg5[%swap3A, %swap3A_13, %swap3A_14] : memref<1x1x10000xf32, #tpu.memory_space<vmem>>, vector<1x1x10000xf32>
    %swap3A_16 = vector.shape_cast %swap3A_15 : vector<1x1x10000xf32> to vector<10000xf32>
    %swap3A_17 = vector.shape_cast %reduce_max3A_12 : vector<10000xf32> to vector<1x1x10000xf32>
    tpu.vector_store %arg5[%swap3A, %swap3A_13, %swap3A_14], %swap3A_17 {strides = array<i32>} : memref<1x1x10000xf32, #tpu.memory_space<vmem>>, vector<1x1x10000xf32>,
    %eq3A_18 = arith.constant 0 : i32
    %eq3A_19 = arith.cmpi eq, %arg0, %eq3A_18 : i32
    %convert_element_type3A_20 = arith.extui %eq3A_19 : i1 to i32
    %cond3A = arith.constant 0 : i32
    %cond3A_21 = arith.cmpi ne, %convert_element_type3A_20, %cond3A : i32
    scf.if %cond3A_21 {
      %broadcast_in_dim3A_35 = arith.constant 0.000000e+00 : f32
      %broadcast_in_dim3A_36 = vector.broadcast %broadcast_in_dim3A_35 : f32 to vector<64x128xf32>
      %swap3A_37 = arith.constant 0 : index
      %swap3A_38 = arith.constant 0 : index
      %swap3A_39 = vector.load %arg3[%swap3A_37, %swap3A_38] : memref<64x128xf32, #tpu.memory_space<vmem>>, vector<64x128xf32>
      tpu.vector_store %arg3[%swap3A_37, %swap3A_38], %broadcast_in_dim3A_36 {strides = array<i32>} : memref<64x128xf32, #tpu.memory_space<vmem>>, vector<64x128xf32>,
      %broadcast_in_dim3A_40 = arith.constant 0.000000e+00 : f32
      %broadcast_in_dim3A_41 = vector.broadcast %broadcast_in_dim3A_40 : f32 to vector<64x128xf32>
      %swap3A_42 = arith.constant 0 : index
      %swap3A_43 = arith.constant 0 : index
      %swap3A_44 = vector.load %arg4[%swap3A_42, %swap3A_43] : memref<64x128xf32, #tpu.memory_space<vmem>>, vector<64x128xf32>
      tpu.vector_store %arg4[%swap3A_42, %swap3A_43], %broadcast_in_dim3A_41 {strides = array<i32>} : memref<64x128xf32, #tpu.memory_space<vmem>>, vector<64x128xf32>,
    } else {
    }
    %get3A_22 = arith.constant 0 : index
    %get3A_23 = arith.constant 0 : index
    %get3A_24 = vector.load %arg3[%get3A_22, %get3A_23] : memref<64x128xf32, #tpu.memory_space<vmem>>, vector<64x128xf32>
    %add3A = arith.addf %get3A_24, %dot_general3A_9 : vector<64x128xf32>
    %swap3A_25 = arith.constant 0 : index
    %swap3A_26 = arith.constant 0 : index
    %swap3A_27 = vector.load %arg3[%swap3A_25, %swap3A_26] : memref<64x128xf32, #tpu.memory_space<vmem>>, vector<64x128xf32>
    tpu.vector_store %arg3[%swap3A_25, %swap3A_26], %add3A {strides = array<i32>} : memref<64x128xf32, #tpu.memory_space<vmem>>, vector<64x128xf32>,
    %get3A_28 = arith.constant 0 : index
    %get3A_29 = arith.constant 0 : index
    %get3A_30 = vector.load %arg4[%get3A_28, %get3A_29] : memref<64x128xf32, #tpu.memory_space<vmem>>, vector<64x128xf32>
    %add3A_31 = arith.addf %get3A_30, %dot_general3A_11 : vector<64x128xf32>
    %swap3A_32 = arith.constant 0 : index
    %swap3A_33 = arith.constant 0 : index
    %swap3A_34 = vector.load %arg4[%swap3A_32, %swap3A_33] : memref<64x128xf32, #tpu.memory_space<vmem>>, vector<64x128xf32>
    tpu.vector_store %arg4[%swap3A_32, %swap3A_33], %add3A_31 {strides = array<i32>} : memref<64x128xf32, #tpu.memory_space<vmem>>, vector<64x128xf32>,
    return
  }
  func.func @transform_0(%arg0: i32) -> (i32, i32) {
    %c0_i32 = arith.constant 0 : i32
    %c0_i32_0 = arith.constant 0 : i32
    return %arg0, %c0_i32 : i32, i32
  }
  func.func @transform_1(%arg0: i32) -> (i32, i32, i32) {
    %c0_i32 = arith.constant 0 : i32
    %c0_i32_0 = arith.constant 0 : i32
    %c0_i32_1 = arith.constant 0 : i32
    return %arg0, %c0_i32, %c0_i32_0 : i32, i32, i32
  }
  func.func @transform_2(%arg0: i32) -> (i32, i32) {
    %c0_i32 = arith.constant 0 : i32
    %c0_i32_0 = arith.constant 0 : i32
    %c0_i32_1 = arith.constant 0 : i32
    return %c0_i32, %c0_i32_0 : i32, i32
  }
  func.func @transform_3(%arg0: i32) -> (i32, i32) {
    %c0_i32 = arith.constant 0 : i32
    %c0_i32_0 = arith.constant 0 : i32
    %c0_i32_1 = arith.constant 0 : i32
    return %c0_i32, %c0_i32_0 : i32, i32
  }
  func.func @transform_4(%arg0: i32) -> (i32, i32, i32) {
    %c0_i32 = arith.constant 0 : i32
    %c0_i32_0 = arith.constant 0 : i32
    %c0_i32_1 = arith.constant 0 : i32
    return %arg0, %c0_i32, %c0_i32_0 : i32, i32, i32
  }
}

module attributes {stable_mosaic.version = 14 : i64} {
  func.func @_pass_b(%arg0: i32, %arg1: memref<10000x128xf32, #tpu.memory_space<vmem>>, %arg2: memref<1x1x10000xi32, #tpu.memory_space<vmem>>, %arg3: memref<64x128xf32, #tpu.memory_space<vmem>>, %arg4: memref<64x128xf32, #tpu.memory_space<vmem>>, %arg5: memref<32x64xf32, #tpu.memory_space<vmem>>, %arg6: memref<1x128xf32, #tpu.memory_space<vmem>>, %arg7: memref<1x128xf32, #tpu.memory_space<vmem>>, %arg8: memref<10000x128xf32, #tpu.memory_space<vmem>>) attributes {dimension_semantics = [#tpu.dimension_semantics<arbitrary>], iteration_bounds = array<i64: 10>, scalar_prefetch = 0 : i64, scratch_operands = 0 : i64, tpu.core_type = #tpu.core_type<tc>, window_params = [{transform_indices = @transform_0, window_bounds = array<i64: 10000, 128>}, {transform_indices = @transform_1, window_bounds = array<i64: 1, 1, 10000>}, {pipeline_mode = #tpu.pipeline_mode<synchronous>, transform_indices = @transform_2, window_bounds = array<i64: 64, 128>}, {pipeline_mode = #tpu.pipeline_mode<synchronous>, transform_indices = @transform_3, window_bounds = array<i64: 64, 128>}, {pipeline_mode = #tpu.pipeline_mode<synchronous>, transform_indices = @transform_4, window_bounds = array<i64: 32, 64>}, {pipeline_mode = #tpu.pipeline_mode<synchronous>, transform_indices = @transform_5, window_bounds = array<i64: 1, 128>}, {pipeline_mode = #tpu.pipeline_mode<synchronous>, transform_indices = @transform_6, window_bounds = array<i64: 1, 128>}, {transform_indices = @transform_7, window_bounds = array<i64: 10000, 128>}]} {
    %get3A = arith.constant 0 : index
    %get3A_0 = arith.constant 0 : index
    %get3A_1 = vector.load %arg5[%get3A, %get3A_0] : memref<32x64xf32, #tpu.memory_space<vmem>>, vector<32x64xf32>
    %reduce_max3A = arith.constant dense<0xFF800000> : vector<64xf32>
    %reduce_max3A_2 = vector.multi_reduction <maximumf>, %get3A_1, %reduce_max3A [0] : vector<32x64xf32> to vector<64xf32>
    %broadcast_in_dim3A = vector.shape_cast %reduce_max3A_2 : vector<64xf32> to vector<64x1xf32>
    %sqrt3A = math.sqrt %broadcast_in_dim3A : vector<64x1xf32>
    %max3A = arith.constant 9.99999996E-13 : f32
    %max3A_3 = vector.broadcast %max3A : f32 to vector<64x1xf32>
    %max3A_4 = arith.maximumf %sqrt3A, %max3A_3 : vector<64x1xf32>
    %sqrt3A_5 = math.sqrt %max3A_4 : vector<64x1xf32>
    %get3A_6 = arith.constant 0 : index
    %get3A_7 = arith.constant 0 : index
    %get3A_8 = vector.load %arg3[%get3A_6, %get3A_7] : memref<64x128xf32, #tpu.memory_space<vmem>>, vector<64x128xf32>
    %div3A = vector.broadcast %sqrt3A_5 : vector<64x1xf32> to vector<64x128xf32>
    %div3A_9 = arith.divf %get3A_8, %div3A : vector<64x128xf32>
    %reduce_sum3A = arith.constant dense<0.000000e+00> : vector<128xf32>
    %reduce_sum3A_10 = vector.multi_reduction <add>, %div3A_9, %reduce_sum3A [0] : vector<64x128xf32> to vector<128xf32>
    %broadcast_in_dim3A_11 = vector.shape_cast %reduce_sum3A_10 : vector<128xf32> to vector<1x128xf32>
    %get3A_12 = arith.constant 0 : index
    %get3A_13 = arith.constant 0 : index
    %get3A_14 = vector.load %arg4[%get3A_12, %get3A_13] : memref<64x128xf32, #tpu.memory_space<vmem>>, vector<64x128xf32>
    %div3A_15 = vector.broadcast %max3A_4 : vector<64x1xf32> to vector<64x128xf32>
    %div3A_16 = arith.divf %get3A_14, %div3A_15 : vector<64x128xf32>
    %reduce_sum3A_17 = arith.constant dense<0.000000e+00> : vector<128xf32>
    %reduce_sum3A_18 = vector.multi_reduction <add>, %div3A_16, %reduce_sum3A_17 [0] : vector<64x128xf32> to vector<128xf32>
    %broadcast_in_dim3A_19 = vector.shape_cast %reduce_sum3A_18 : vector<128xf32> to vector<1x128xf32>
    %div3A_20 = arith.constant 1.000000e+05 : f32
    %div3A_21 = vector.broadcast %div3A_20 : f32 to vector<1x128xf32>
    %div3A_22 = arith.divf %broadcast_in_dim3A_11, %div3A_21 : vector<1x128xf32>
    %mul3A = arith.mulf %div3A_22, %broadcast_in_dim3A_11 : vector<1x128xf32>
    %sub3A = arith.subf %broadcast_in_dim3A_19, %mul3A : vector<1x128xf32>
    %div3A_23 = arith.constant 9.999900e+04 : f32
    %div3A_24 = vector.broadcast %div3A_23 : f32 to vector<1x128xf32>
    %div3A_25 = arith.divf %sub3A, %div3A_24 : vector<1x128xf32>
    %add3A = arith.constant 9.99999974E-6 : f32
    %add3A_26 = vector.broadcast %add3A : f32 to vector<1x128xf32>
    %add3A_27 = arith.addf %div3A_25, %add3A_26 : vector<1x128xf32>
    %rsqrt3A = math.rsqrt %add3A_27 : vector<1x128xf32>
    %get3A_28 = arith.constant 0 : index
    %get3A_29 = arith.constant 0 : index
    %get3A_30 = vector.load %arg6[%get3A_28, %get3A_29] : memref<1x128xf32, #tpu.memory_space<vmem>>, vector<1x128xf32>
    %mul3A_31 = arith.mulf %get3A_30, %rsqrt3A : vector<1x128xf32>
    %div3A_32 = vector.broadcast %mul3A_31 : vector<1x128xf32> to vector<64x128xf32>
    %div3A_33 = vector.broadcast %sqrt3A_5 : vector<64x1xf32> to vector<64x128xf32>
    %div3A_34 = arith.divf %div3A_32, %div3A_33 : vector<64x128xf32>
    %get3A_35 = arith.constant 0 : index
    %get3A_36 = arith.constant 0 : index
    %get3A_37 = vector.load %arg7[%get3A_35, %get3A_36] : memref<1x128xf32, #tpu.memory_space<vmem>>, vector<1x128xf32>
    %mul3A_38 = arith.mulf %div3A_22, %mul3A_31 : vector<1x128xf32>
    %sub3A_39 = arith.subf %get3A_37, %mul3A_38 : vector<1x128xf32>
    %get3A_40 = arith.constant 0 : index
    %get3A_41 = arith.constant 0 : index
    %get3A_42 = vector.load %arg1[%get3A_40, %get3A_41] : memref<10000x128xf32, #tpu.memory_space<vmem>>, vector<10000x128xf32>
    %get3A_43 = arith.constant 0 : index
    %get3A_44 = arith.constant 0 : index
    %get3A_45 = arith.constant 0 : index
    %get3A_46 = vector.load %arg2[%get3A_43, %get3A_44, %get3A_45] : memref<1x1x10000xi32, #tpu.memory_space<vmem>>, vector<1x1x10000xi32>
    %get3A_47 = vector.shape_cast %get3A_46 : vector<1x1x10000xi32> to vector<10000xi32>
    %iota3A = tpu.iota {dimensions = array<i32: 0>} : vector<64x10000xi32>
    %broadcast_in_dim3A_48 = vector.shape_cast %get3A_47 : vector<10000xi32> to vector<1x10000xi32>
    %eq3A = vector.broadcast %broadcast_in_dim3A_48 : vector<1x10000xi32> to vector<64x10000xi32>
    %eq3A_49 = arith.cmpi eq, %iota3A, %eq3A : vector<64x10000xi32>
    %convert_element_type3A = arith.extui %eq3A_49 : vector<64x10000xi1> to vector<64x10000xi32>
    %convert_element_type3A_50 = arith.sitofp %convert_element_type3A : vector<64x10000xi32> to vector<64x10000xf32>
    %dot_general3A = arith.constant dense<0.000000e+00> : vector<10000x128xf32>
    %dot_general3A_51 = tpu.matmul %convert_element_type3A_50, %div3A_34, %dot_general3A {dimension_numbers = #tpu.dot_dimension_numbers<[0], [0], [1], [1], [0, 1, 1, 1], [], []>, transpose_lhs_hint = false} : vector<64x10000xf32>, vector<64x128xf32>, vector<10000x128xf32> -> vector<10000x128xf32>
    %mul3A_52 = arith.mulf %get3A_42, %dot_general3A_51 : vector<10000x128xf32>
    %add3A_53 = vector.broadcast %sub3A_39 : vector<1x128xf32> to vector<10000x128xf32>
    %add3A_54 = arith.addf %mul3A_52, %add3A_53 : vector<10000x128xf32>
    %swap3A = arith.constant 0 : index
    %swap3A_55 = arith.constant 0 : index
    %swap3A_56 = vector.load %arg8[%swap3A, %swap3A_55] : memref<10000x128xf32, #tpu.memory_space<vmem>>, vector<10000x128xf32>
    tpu.vector_store %arg8[%swap3A, %swap3A_55], %add3A_54 {strides = array<i32>} : memref<10000x128xf32, #tpu.memory_space<vmem>>, vector<10000x128xf32>,
    return
  }
  func.func @transform_0(%arg0: i32) -> (i32, i32) {
    %c0_i32 = arith.constant 0 : i32
    %c0_i32_0 = arith.constant 0 : i32
    return %arg0, %c0_i32 : i32, i32
  }
  func.func @transform_1(%arg0: i32) -> (i32, i32, i32) {
    %c0_i32 = arith.constant 0 : i32
    %c0_i32_0 = arith.constant 0 : i32
    %c0_i32_1 = arith.constant 0 : i32
    return %arg0, %c0_i32, %c0_i32_0 : i32, i32, i32
  }
  func.func @transform_2(%arg0: i32) -> (i32, i32) {
    %c0_i32 = arith.constant 0 : i32
    %c0_i32_0 = arith.constant 0 : i32
    %c0_i32_1 = arith.constant 0 : i32
    return %c0_i32, %c0_i32_0 : i32, i32
  }
  func.func @transform_3(%arg0: i32) -> (i32, i32) {
    %c0_i32 = arith.constant 0 : i32
    %c0_i32_0 = arith.constant 0 : i32
    %c0_i32_1 = arith.constant 0 : i32
    return %c0_i32, %c0_i32_0 : i32, i32
  }
  func.func @transform_4(%arg0: i32) -> (i32, i32) {
    %c0_i32 = arith.constant 0 : i32
    %c0_i32_0 = arith.constant 0 : i32
    %c0_i32_1 = arith.constant 0 : i32
    return %c0_i32, %c0_i32_0 : i32, i32
  }
  func.func @transform_5(%arg0: i32) -> (i32, i32) {
    %c0_i32 = arith.constant 0 : i32
    %c0_i32_0 = arith.constant 0 : i32
    %c0_i32_1 = arith.constant 0 : i32
    return %c0_i32, %c0_i32_0 : i32, i32
  }
  func.func @transform_6(%arg0: i32) -> (i32, i32) {
    %c0_i32 = arith.constant 0 : i32
    %c0_i32_0 = arith.constant 0 : i32
    %c0_i32_1 = arith.constant 0 : i32
    return %c0_i32, %c0_i32_0 : i32, i32
  }
  func.func @transform_7(%arg0: i32) -> (i32, i32) {
    %c0_i32 = arith.constant 0 : i32
    %c0_i32_0 = arith.constant 0 : i32
    return %arg0, %c0_i32 : i32, i32
  }
}

</mosaic_0001>

<sc_bundles>
// kernel: _run.5.cloned.1.call-start
scs
__scs_entry_jumppad:
0x0: {  	(pc) =	sbr.rel $0x88, $3  }
0x1: {  	(tag) =	ssettag $0x0;
	lr =	simm.s32 $0x1  }
0x2: {  	[smem:$0x3F9D] =	sst lr;
	_ =	strace $0xD0000000  }
0x3: {  	_ = 	snop  }
0x4: {  	_ = 	snop  }
0x5: {  	_ = 	snop  }
0x6: {  	_ = 	snop  }
0x7: {  	_ = 	snop  }
__scs_overlays_trampoline_lowered:
0x8: {  	[smem:$0x3FAC] =	sst s0  }
0x9: {  	[smem:$0x3FAD] =	sst s1  }
0xa: {  	[smem:$0x3FAE] =	sst s2  }
0xb: {  	[smem:$0x3FAF] =	sst s3  }
0xc: {  	[smem:$0x3FB0] =	sst s4  }
0xd: {  	[smem:$0x3FB1] =	sst s5  }
0xe: {  	[smem:$0x3FB2] =	sst s6  }
0xf: {  	[smem:$0x3FB3] =	sst s7  }
0x10: {  	[smem:$0x3FB4] =	sst s8  }
0x11: {  	[smem:$0x3FB5] =	sst s9;
	s0 =	simm.s32 @!p0 $0x0  }
0x12: {  	s1 =	sld [smem:$0x3F9B];
	s0 =	simm.s32 @p0 $0x1  }
0x13: {  	[smem:$0x3FB6] =	sst s0;
	s0 =	simm.s32 @!p1 $0x0  }
0x14: {  	s2 =	sld [smem:$0x3F9A];
	s0 =	simm.s32 @p1 $0x1  }
0x15: {  	[smem:$0x3FB7] =	sst s0;
	s0 =	simm.s32 @!p2 $0x0  }
0x16: {  	s3 =	sld [smem:$0x3FDB];
	s0 =	simm.s32 @p2 $0x1  }
0x17: {  	s4 =	simm.s32 $0x1BF5;
	[smem:$0x3FB9] =	sst s0  }
0x18: {  	s0 =	sld [smem:$0x3F9C];
	_ =	swait.ge [sflag:s4], $0x0  }
0x19: {  	s7 =	sld [smem:$0x3F9D]  }
0x1a: {  	s8 =	sadd.s32 $0xFFFFE003, lr  }
0x1b: {  	s9 =	sadd.s32 $0xFFFFFEF7, lr;
	s5 =	simm.s32 $0xFFFFFFFF;
	p2 =	slt.u32 s8, $0xFFFFF086  }
0x1c: {  	p1 =	slt.u32 s9, $0xF7A;
	s5 =	simm.s32 @!p2 $0x0  }
0x1d: {  	s5 =	simm.s32 @p1 $0x1;
	p0 =	seq.s32 s7, s2  }
0x1e: {  	s7 =	smul.u32 @!p0 $0xF7A, s2;
	p2 =	seq.s32 @!p0 s5, $0x0  }
0x1f: {  	s9 =	smul.u32 $0xF7A, s1;
	s8 =	simm.s32 @!p0 $0x1BF5;
	p2 =	por !p2, p0  }
0x20: {  	[sflag:s8] =	ssyncset.s32 @!p0 $0xFFFFF086;
	s6 =	sadd.s32 @!p0 s3, s7;
	s7 =	simm.s32 @!p0 $0x108  }
0x21: {  	s3 =	sadd.s32 s3, s9;
	s6 =	sadd.s32 @!p0 $0x88, s6;
	s7 =	simm.s32 @p2 $0x1082  }
0x22: {  	[simem:s7], [sflag:s8] =	dma.local @!p0 [hbm:s6], $0xF7A  }
0x23: {  	s9 =	sor.u32 $0xD0000000, s2;
	s6 =	simm.s32 $0x108;
	_ =	swait.ge @!p0 [sflag:s8], $0x0  }
0x24: {  	s3 =	sadd.s32 $0x88, s3;
	s6 =	simm.s32 @!p1 $0x1082;
	[sflag:s4] =	ssyncset.s32 $0xFFFFF086  }
0x25: {  	[simem:s6], [sflag:s4] =	dma.local [hbm:s3], $0xF7A  }
0x26: {  	[smem:$0x3F9D] =	sst s1;
	(tag) =	ssettag s2;
	_ =	strace s9  }
0x27: {  	s1 =	sld [smem:$0x3FAD]  }
0x28: {  	s2 =	sld [smem:$0x3FAE]  }
0x29: {  	s4 =	sld [smem:$0x3FB0]  }
0x2a: {  	p0 =	seq.s32 s5, $0x0;
	s5 =	sld [smem:$0x3FB1]  }
0x2b: {  	s6 =	sld [smem:$0x3FB2]  }
0x2c: {  	s7 =	sld [smem:$0x3FB3]  }
0x2d: {  	s3 =	simm.s32 $0x108;
	s8 =	sld [smem:$0x3FB4]  }
0x2e: {  	s3 =	simm.s32 @!p0 $0x1082;
	s9 =	sld [smem:$0x3FB5]  }
0x2f: {  	lr =	sadd.s32 s0, s3;
	s0 =	sld [smem:$0x3FAC]  }
0x30: {  	s3 =	sld [smem:$0x3FAF]  }
0x31: {  	[smem:$0x3FB8] =	sst s10  }
0x32: {  	s10 =	sld [smem:$0x3FB6];
	_ =	sdelay $0x3  }
0x33: {  	p0 =	seq.s32 s10, $0x1;
	s10 =	sld [smem:$0x3FB8];
	_ =	sdelay $0x3  }
0x34: {  	[smem:$0x3FB8] =	sst s10  }
0x35: {  	s10 =	sld [smem:$0x3FB7];
	_ =	sdelay $0x3  }
0x36: {  	p1 =	seq.s32 s10, $0x1;
	s10 =	sld [smem:$0x3FB8];
	_ =	sdelay $0x3  }
0x37: {  	[smem:$0x3FB8] =	sst s10  }
0x38: {  	s10 =	sld [smem:$0x3FB9]  }
0x39: {  	_ = 	snop;
	(pc) =	sbr.ind lr, $3  }
0x3a: {  	_ = 	snop  }
0x3b: {  	_ = 	snop  }
0x3c: {  	p2 =	seq.s32 s10, $0x1;
	s10 =	sld [smem:$0x3FB8]  }
0x3d: {  	_ =	shalt  }
0x3e: {  	_ =	shalt  }
0x3f: {  	_ =	shalt  }
0x40: {  	_ =	shalt  }
0x41: {  	_ =	shalt  }
0x42: {  	_ =	shalt  }
0x43: {  	_ =	shalt  }
0x44: {  	_ =	shalt  }
0x45: {  	_ =	shalt  }
0x46: {  	_ =	shalt  }
0x47: {  	_ =	shalt  }
0x48: {  	_ =	shalt  }
0x49: {  	_ =	shalt  }
0x4a: {  	_ =	shalt  }
0x4b: {  	_ =	shalt  }
0x4c: {  	_ =	shalt  }
0x4d: {  	_ =	shalt  }
0x4e: {  	_ =	shalt  }
0x4f: {  	_ =	shalt  }
0x50: {  	_ =	shalt  }
0x51: {  	_ =	shalt  }
0x52: {  	_ =	shalt  }
0x53: {  	_ =	shalt  }
0x54: {  	_ =	shalt  }
0x55: {  	_ =	shalt  }
0x56: {  	_ =	shalt  }
0x57: {  	_ =	shalt  }
0x58: {  	_ =	shalt  }
0x59: {  	_ =	shalt  }
0x5a: {  	_ =	shalt  }
0x5b: {  	_ =	shalt  }
0x5c: {  	_ =	shalt  }
0x5d: {  	_ =	shalt  }
0x5e: {  	_ =	shalt  }
0x5f: {  	_ =	shalt  }
0x60: {  	_ =	shalt  }
0x61: {  	_ =	shalt  }
0x62: {  	_ =	shalt  }
0x63: {  	_ =	shalt  }
0x64: {  	_ =	shalt  }
0x65: {  	_ =	shalt  }
0x66: {  	_ =	shalt  }
0x67: {  	_ =	shalt  }
0x68: {  	_ =	shalt  }
0x69: {  	_ =	shalt  }
0x6a: {  	_ =	shalt  }
0x6b: {  	_ =	shalt  }
0x6c: {  	_ =	shalt  }
0x6d: {  	_ =	shalt  }
0x6e: {  	_ =	shalt  }
0x6f: {  	_ =	shalt  }
0x70: {  	_ =	shalt  }
0x71: {  	_ =	shalt  }
0x72: {  	_ =	shalt  }
0x73: {  	_ =	shalt  }
0x74: {  	_ =	shalt  }
0x75: {  	_ =	shalt  }
0x76: {  	_ =	shalt  }
0x77: {  	_ =	shalt  }
0x78: {  	_ =	shalt  }
0x79: {  	_ =	shalt  }
0x7a: {  	_ =	shalt  }
0x7b: {  	_ =	shalt  }
0x7c: {  	_ =	shalt  }
0x7d: {  	_ =	shalt  }
0x7e: {  	_ =	shalt  }
0x7f: {  	_ =	shalt  }
0x80: {  	_ =	shalt  }
0x81: {  	_ =	shalt  }
0x82: {  	_ =	shalt  }
0x83: {  	_ =	shalt  }
0x84: {  	_ =	shalt  }
0x85: {  	_ =	shalt  }
0x86: {  	_ =	shalt  }
0x87: {  	_ =	shalt  }
.Lfunc_end0:
.L_simem_size_0:
called_computation_lowered:
.L_overlay_start_0:
0x88: {  	s2 =	sld [smem:$0x3FD9]  }
0x89: {  	s3 =	sld [smem:$0x3FFE];
	_ =	sdelay $0x1  }
0x8a: {  	s1 =	srdreg.scid  }
0x8b: {  	s0 =	sand.u32 $0x1, s1  }
0x8c: {  	s17 =	sshll.u32 s0, $0xA;
	s2 =	sadd.s32 s3, s2  }
0x8d: {  	s2 =	sadd.s32 s2, s17  }
0x8e: {  	[smem:$0x3FC4] =	sst s2  }
0x8f: {  	_ = 	snop  }
0x90: {  	s2 =	sld [smem:$0x3FD0];
	(tm) =	ssettm $0x1  }
0x91: {  	s18 =	sld [smem:$0x3FFB];
	_ =	sdelay $0x3  }
0x92: {  	_ =	strace s18  }
0x93: {  	s3 =	sld [smem:$0x3FFC];
	_ =	sdelay $0x3  }
0x94: {  	_ =	strace s3  }
0x95: {  	s3 =	sld [smem:$0x3FFD];
	_ =	sdelay $0x3  }
0x96: {  	_ =	strace s3  }
0x97: {  	_ =	strace $0x8FFFFFFF  }
0x98: {  	s19 =	sld [smem:$0x3FDB];
	_ =	sdelay $0x1  }
0x99: {  	s4 =	simm.s32 $_scs_section_size  }
0x9a: {  	s5 =	simm.s32 $_size__tile_overlayer_lowered;
	s6 =	simm.s32 $_tile_overlayer_lowered  }
0x9b: {  	s22 =	simm.s32 $0x1BFF;
	s21 =	sshll.u32 s6, $0x1;
	s3 =	sadd.s32 s4, s19  }
0x9c: {  	s7 =	simm.s32 $0x0;
	s20 =	sshll.u32 s5, $0x1;
	s5 =	sadd.s32 s21, s3  }
0x9d: {  	[timem:s7], [sflag:s22] =	dma.local [hbm:s5], s20  }
0x9e: {  	_ =	swait.ge [sflag:s22], s20  }
0x9f: {  	s4 =	ssub.s32 $0x0, s20;
	[sflag:s22] =	ssyncset.done $0x0  }
0xa0: {  	[sflag:s22] =	ssyncadd.s32 s4;
	_ =	sdelay $0x1  }
0xa1: {  	s23 =	simm.s32 $0x1B8B  }
0xa2: {  	_ =	swait.ge [sflag:s23], $0x1  }
0xa3: {  	[sflag:s23] =	ssyncset.done $0x0  }
0xa4: {  	s25 =	simm.s32 $0x1B8E;
	s24 =	sld [smem:$0x3FFE];
	[sflag:s23] =	ssyncadd.s32 $0xFFFFFFFF  }
0xa5: {  	s26 =	simm.s32 $execute0_lowered;
	[smem:$0x3FD2] =	sst s25  }
0xa6: {  	s5 =	sshll.u32 s26, $0x1;
	_ =	strace $0x80000046;
	[dreg:$0x1] =	wrdreg $0xFFFFFFFF  }
0xa7: {  	s28 =	simm.s32 $_size_execute0_lowered;
	s3 =	sadd.s32 s3, s5;
	[dreg:$0x0] =	wrdreg $0x0  }
0xa8: {  	s5 =	sshll.u32 s28, $0x1;
	[dreg:$0x2] =	wrdreg s3  }
0xa9: {  	[dreg:$0x3] =	wrdreg s5  }
0xaa: {  	[dreg:$0x4] =	wrdreg $0xC0  }
0xab: {  	_ =	task [dreg:s7], $0x5FFFF  }
0xac: {  	[dreg:$0x1] =	wrdreg $0xFFFFFFFF  }
0xad: {  	[dreg:$0x0] =	wrdreg $0x60  }
0xae: {  	[dreg:$0x2] =	wrdreg s2  }
0xaf: {  	[dreg:$0x3] =	wrdreg s24  }
0xb0: {  	[dreg:$0x4] =	wrdreg $0x9  }
0xb1: {  	_ =	task.clear_ibuf [dreg:s7], $0x5FFFF;
	_ =	strace $0x90000046  }
0xb2: {  	s29 =	simm.s32 $0x9;
	_ =	strace $0x80000048  }
0xb3: {  	_ =	swait.ge [sflag:s29], $0x1  }
0xb4: {  	[sflag:s29] =	ssyncadd.s32 $0xFFFFFFFF  }
0xb5: {  	_ =	strace $0x90000048  }
0xb6: {  	_ =	sfence  }
0xb7: {  	s30 =	sld [smem:$0x0];
	_ =	sdelay $0x2  }
0xb8: {  	s31 =	sshll.u32 s1, $0xD;
	s1 =	sshrl.u32 s1, $0x2  }
0xb9: {  	s3 =	sand.u32 $0x4000, s31;
	s1 =	sadd.s32 s1, s30  }
0xba: {  	s0 =	sor.u32 s3, s0;
	s1 =	sshll.u32 s1, $0x11  }
0xbb: {  	s0 =	sor.u32 s1, s0  }
0xbc: {  	s0 =	sadd.s32 $0x8F2B, s0  }
0xbd: {  	[sflag:s0] =	ssyncadd.remote.s32 $0x1  }
0xbe: {  	_ =	sfence.sel $0xFFFF  }
0xbf: {  	[dreg:$0x0] =	wrdreg $0xFFFFFFFF;
	(pc) =	sbr.abs _section_cstart, $3  }
0xc0: {  	[dreg:$0x1] =	wrdreg $0xFFFFFFFF  }
0xc1: {  	_ =	task.clear_ibuf [dreg:s7], $0x2FFFF;
	_ =	strace $0x9FFFFFFF  }
0xc2: {  	(tm) =	ssettm $0x7FFFFFFF  }
0xc3: {  	_ =	shalt  }
tec
execute0_lowered:
.L_overlay_start_1:
0x0: {  	(tag) =	ssettag $0x1  }
0x1: {  	v0 =	vimm.s32 $0xFFEDCBA9;
	v1 =	vimm.s32 $0x87654321  }
0x2: {  	v2 =	vimm.s32 $0xBA987654;
	v0 =	vunpack.c.l.s4.s8 v0;
	v1 =	vunpack.c.l.s4.s8 v1  }
0x3: {  	v3 =	vimm.s32 $0xFFFEDCBA;
	v4 =	vimm.s32 $0x98765432;
	vm0 =	vcmask $0x1F00  }
0x4: {  	v6 =	vimm.s32 $0xEDCBA987;
	v0 =	vunpack.c.0.s8.s32 v0;
	v1 =	vunpack.c.0.s8.s32 v1  }
0x5: {  	v7 =	vimm.s32 $0x65432100;
	v2 =	vunpack.c.l.s4.s8 v2;
	v3 =	vunpack.c.l.s4.s8 v3  }
0x6: {  	s3 =	rddreg [dreg:$0x0];
	s1 =	srdreg.scid;
	v4 =	vunpack.c.l.s4.s8 v4;
	v6 =	vunpack.c.l.s4.s8 v6;
	v5 =	vcombine.low v1, v0  }
0x7: {  	s0 =	stileid.u32;
	s4 =	rddreg [dreg:$0x1];
	s2 =	simm.s32 $0x0;
	v0 =	vunpack.c.0.s8.s32 v2;
	v1 =	vunpack.c.0.s8.s32 v3;
	v3 =	vimm.s32 $0xFEDCBA98  }
0x8: {  	s5 =	sand.u32 $0x1, s1;
	s6 =	sshll.u32 s0, $0x1;
	s1 =	rddreg [dreg:$0x2];
	v2 =	vunpack.c.0.s8.s32 v4;
	v4 =	vimm.s32 $0xF0E0D0C;
	v3 =	vunpack.c.l.s4.s8 v3  }
0x9: {  	s10 =	simm.s32 $0x0;
	[smem:$0x7FF] =	sst s2;
	v7 =	vunpack.c.l.s4.s8 v7;
	s6 =	sor.u32 s5, s6;
	v4 =	vunpack.c.0.s8.s32 v4;
	v0 =	vand.u32 $0xF, v0  }
0xa: {  	vm1 =	vcmask $0x2F20;
	s5 =	ssub.s32 $0x2, s5;
	s7 =	smul.u32 $0x190, s6;
	s6 =	sshll.u32 s6, $0x4;
	v3 =	vunpack.c.0.s8.s32 v3;
	v0 =	vnsel vm0, $0xF, v0  }
0xb: {  	_ =	strace $0x80000047;
	s31 =	sshrl.u32 s5, $0x1;
	v7 =	vunpack.c.0.s8.s32 v7;
	s6 =	sadd.s32 s6, s4;
	v0 =	vsel vm1, v4, v0;
	v4 =	vunpack.c.0.s8.s32 v6  }
0xc: {  	s9 =	ssub.s32 s5, s31;
	s8 =	sadd.s32 s7, s4;
	s3 =	sadd.s32 s3, s7;
	v6 =	vcombine.low v2, v1;
	v2 =	vimm.f32 $0.0e+00;
	v3 =	vand.u32 $0xF, v3  }
0xd: {  	s5 =	sadd.s32 $0x3A00, s6;
	s6 =	smax.u32 s9, $0x1;
	s7 =	simm.s32 $0x1;
	v1 =	vnsel vm0, $0xF, v3;
	v3 =	vand.u32 $0xF, v5;
	v5 =	vand.u32 $0xF, v4  }
0xe: {  	s9 =	simm.s32 $0x1900;
	s4 =	sadd.s32 $0x800, s8;
	s8 =	simm.s32 $0xC80;
	v4 =	vand.u32 $0xF, v6;
	vm0 =	vmmov $0x1;
	v5 =	vcombine.low v7, v5  }
.LBB2_1:
0xf: {  	[tilespmem:s2], [sflag:$0x1] =	stream.linear.gather [hbm4b:s3+s2], $0xC80, $0x38;
	[tilespmem:$0x1980] =	vst v63  }
0x10: {  	_ =	swait.ge [sflag:s7], $0xC80  }
0x11: {  	[sflag:s7] =	ssyncset.done $0x0  }
0x12: {  	[sflag:s7] =	ssyncadd.s32 $0xFFFFF380  }
0x13: {  	[tilespmem:s8], [sflag:$0x1] =	stream.linear.gather [hbm4b:s4+s2], $0xC80, $0x38;
	[tilespmem:$0x1980] =	vst v63  }
0x14: {  	_ =	swait.ge [sflag:s7], $0xC80  }
0x15: {  	[sflag:s7] =	ssyncset.done $0x0  }
0x16: {  	[sflag:s7] =	ssyncadd.s32 $0xFFFFF380  }
0x17: {  	[tilespmem:$0x1900] =	vst v2  }
0x18: {  	[tilespmem:$0x1910] =	vst v2  }
0x19: {  	[tilespmem:$0x1920] =	vst v2  }
0x1a: {  	s12 =	simm.s32 $0x0;
	[tilespmem:$0x1930] =	vst v2  }
0x1b: {  	s11 =	simm.s32 $0x40;
	v6 =	vld [tilespmem:s12+$0x0]  }
.LBB2_2:
0x1c: {  	p0 =	sne.s32 s11, $0x31C0;
	v7 =	vld [tilespmem:s12+$0xC80];
	_ =	sdelay $0x4  }
0x1d: {  	v8 =	vperm.xlane v6, v3;
	v9 =	vperm.xlane v7, v3;
	_ =	sdelay $0x1  }
0x1e: {  	v8 =	vmax.f32 v6, v8;
	vm1 =	veq.s32 v9, v7  }
0x1f: {  	v6 =	vsel vm1, v8, v6  }
0x20: {  	v9 =	vperm.xlane v7, v4;
	v8 =	vperm.xlane v6, v4;
	_ =	sdelay $0x1  }
0x21: {  	vm1 =	veq.s32 v9, v7;
	v8 =	vmax.f32 v6, v8  }
0x22: {  	v6 =	vsel vm1, v8, v6;
	v8 =	vperm.xlane v7, v0  }
0x23: {  	v10 =	vperm.xlane v7, v5;
	v9 =	vperm.xlane v6, v0;
	_ =	sdelay $0x1  }
0x24: {  	vm2 =	vne.s32 v7, v10;
	vm1 =	veq.s32 v8, v7;
	v8 =	vmax.f32 v6, v9;
	v9 =	vld.idx.msk [tilespmem:v7+s9+$0x0], $0xffff  }
0x25: {  	v6 =	vsel vm1, v8, v6;
	vm1 =	vmor vm2, vm0  }
0x26: {  	v10 =	vperm.xlane v7, v1;
	v8 =	vperm.xlane v6, v1;
	_ =	sdelay $0x1  }
.Ltmp0:
0x27: {  	vm2 =	veq.s32 v10, v7;
	v8 =	vmax.f32 v6, v8;
	(pc) =	sbr.rel @p0 .LBB2_2-.Ltmp0, $4  }
0x28: {  	v6 =	vsel vm2, v8, v6  }
0x29: {  	v6 =	vmax.f32 v9, v6  }
0x2a: {  	s12 =	sshra.s32 s11, $0x2;
	[tilespmem:v7+s9+$0x0] =	vst.idx.msk vm1, v6  }
0x2b: {  	s11 =	sadd.s32 $0x40, s11;
	v6 =	vld [tilespmem:s12+$0x0]  }
0x2c: {  	v7 =	vld [tilespmem:s12+$0xC80];
	_ =	sdelay $0x4  }
0x2d: {  	v8 =	vperm.xlane v6, v3;
	v9 =	vperm.xlane v7, v3;
	_ =	sdelay $0x1  }
0x2e: {  	v8 =	vmax.f32 v6, v8;
	vm1 =	veq.s32 v9, v7  }
0x2f: {  	v6 =	vsel vm1, v8, v6  }
0x30: {  	v58 =	vperm.xlane v7, v4;
	v8 =	vperm.xlane v6, v4;
	_ =	sdelay $0x1  }
0x31: {  	vm1 =	veq.s32 v58, v7;
	v8 =	vmax.f32 v6, v8  }
0x32: {  	v59 =	vperm.xlane v7, v0;
	v6 =	vsel vm1, v8, v6  }
0x33: {  	v10 =	vperm.xlane v7, v5;
	v60 =	vperm.xlane v6, v0;
	_ =	sdelay $0x1  }
0x34: {  	vm2 =	vne.s32 v7, v10;
	vm1 =	veq.s32 v59, v7;
	v61 =	vmax.f32 v6, v60  }
0x35: {  	v62 =	vld.idx.msk [tilespmem:v7+s9+$0x0], $0xffff;
	v6 =	vsel vm1, v61, v6;
	vm1 =	vmor vm2, vm0  }
0x36: {  	v63 =	vperm.xlane v7, v1;
	v8 =	vperm.xlane v6, v1;
	_ =	sdelay $0x1  }
0x37: {  	vm2 =	veq.s32 v63, v7;
	v8 =	vmax.f32 v6, v8  }
0x38: {  	s10 =	sadd.s32 $0x1, s10;
	v6 =	vsel vm2, v8, v6  }
0x39: {  	p0 =	sne.s32 s10, s6;
	v6 =	vmax.f32 v62, v6  }
.Ltmp1:
0x3a: {  	[tilespmem:v7+s9+$0x0] =	vst.idx.msk vm1, v6;
	(pc) =	sbr.rel @p0 .LBB2_1-.Ltmp1, $4  }
0x3b: {  	[hbm4b:s5+s2] =	stream.linear.scatter [tilespmem:s9], [sflag:$0x1], $0x80, $0x38;
	[tilespmem:$0x1980] =	vst v63  }
0x3c: {  	_ =	swait.ge [sflag:s7], $0x80  }
0x3d: {  	[sflag:s7] =	ssyncset.done $0x0  }
0x3e: {  	[sflag:s7] =	ssyncadd.s32 $0xFFFFFF80  }
0x3f: {  	_ =	sfence.sel $0x180000  }
0x40: {  	[bflag:$0x0] =	sbarrier.arrive $0xFFFF  }
0x41: {  	p0 =	sne.s32 s0, $0x0;
	_ =	strace $0x90000047  }
0x42: {  	s0 =	sadd.s32 @!p0 $0x100000, s1;
	[bflag:$0x2] =	sbarrier.arrive $0xFFFF  }
0x43: {  	[sflag:s0] =	ssyncadd.tile.s32 @!p0 $0x1;
	_ =	shalt  }
.Lfunc_end2:
_tile_overlayer_lowered:
.L_overlay_start_2:
0x44: {  	(tag) =	ssettag $0x2  }
0x45: {  	s0 =	rddreg [dreg:$0x0];
	s2 =	stileid.u32  }
0x46: {  	s1 =	rddreg [dreg:$0x1];
	p0 =	sne.s32 s2, $0x0  }
0x47: {  	s3 =	rddreg [dreg:$0x2];
	[bflag:$0x3] =	sbarrier.arrive $0xFFFF;
	s2 =	simm.s32 @!p0 $0x1C01  }
0x48: {  	[timem:s3], [sflag:s2] =	dma.local @!p0 [hbm:s0], s1  }
0x49: {  	s0 =	simm.s32 @!p0 $0x1  }
0x4a: {  	_ =	swait.ge @!p0 [sflag:s0], s1  }
0x4b: {  	s1 =	ssub.s32 @!p0 $0x0, s1;
	[sflag:s0] =	ssyncset.done @!p0 $0x0  }
0x4c: {  	[sflag:s0] =	ssyncadd.s32 @!p0 s1  }
0x4d: {  	[bflag:$0x3] =	sbarrier.arrive $0xFFFF  }
0x4e: {  	_ =	shalt  }

</sc_bundles>
